<compile_context>
chip_gen: v7x
topology: tpu7x:2x2x1
jax: 0.10.2.dev20260603
libtpu: 0.0.44.dev20260713+nightly
codegen_flags: <defaults>
</compile_context>

<pallas_src>
import functools

import jax
import jax.numpy as jnp
from jax import lax
from jax.experimental import pallas as pl
from jax.experimental.pallas import tpu as pltpu
from jax.experimental.pallas import tpu_sc as plsc

NC = 2
NS = 16
NW = NC * NS
LANES = 16

B = 1024
L = 200
E = 128
NV = E // LANES

CHUNK = 100
ROWS = B * L
NCHUNKS = ROWS // CHUNK
CHUNKS_PER_W = NCHUNKS // NW
NPAIRS = CHUNKS_PER_W // 2


@functools.lru_cache(maxsize=1)
def _make_kernel():
    mesh = plsc.VectorSubcoreMesh(core_axis_name="c", subcore_axis_name="s")

    @functools.partial(
        pl.kernel,
        mesh=mesh,
        compiler_params=pltpu.CompilerParams(needs_layout_passes=False),
        out_type=jax.ShapeDtypeStruct((NCHUNKS, CHUNK, E), jnp.float32),
        scratch_types=[
            pltpu.VMEM((CHUNKS_PER_W, CHUNK), jnp.int32),
            pltpu.VMEM((CHUNK, E), jnp.float32),
            pltpu.VMEM((CHUNK, E), jnp.float32),
            pltpu.SemaphoreType.DMA,
            pltpu.SemaphoreType.DMA,
            pltpu.SemaphoreType.DMA,
            pltpu.SemaphoreType.DMA,
        ],
    )
    def emb_ln(ids_hbm, tab_hbm, pos_hbm, gam_hbm, bet_hbm, out_hbm,
               idx_v, g0, g1, gs0, gs1, os0, os1):
        wid = lax.axis_index("s") * NC + lax.axis_index("c")
        gb = [g0, g1]
        gsem, osem = [gs0, gs1], [os0, os1]

        pltpu.sync_copy(ids_hbm.at[wid], idx_v)

        def issue_gather(c, b):
            pltpu.async_copy(tab_hbm.at[idx_v.at[c]], gb[b], gsem[b])

        issue_gather(0, 0)

        def pair_body(p, carry):
            for b in range(2):
                c = 2 * p + b

                @pl.when(c < CHUNKS_PER_W - 1)
                def _():
                    issue_gather(c + 1, 1 - b)

                pltpu.make_async_copy(tab_hbm.at[idx_v.at[c]], gb[b],
                                      gsem[b]).wait()

                @pl.when(c >= 2)
                def _():
                    pltpu.make_async_copy(gb[b], out_hbm.at[0], osem[b]).wait()

                pltpu.async_copy(gb[b], out_hbm.at[wid * CHUNKS_PER_W + c],
                                 osem[b])
            return carry

        lax.fori_loop(0, NPAIRS, pair_body, 0, unroll=False)

        pltpu.make_async_copy(gb[0], out_hbm.at[0], osem[0]).wait()
        pltpu.make_async_copy(gb[1], out_hbm.at[0], osem[1]).wait()

    return emb_ln


def kernel(token_ids, token_table, pos_table, gamma, beta):
    ids3d = token_ids.astype(jnp.int32).reshape(NW, CHUNKS_PER_W, CHUNK)
    out = _make_kernel()(ids3d, token_table, pos_table, gamma, beta)
    return out.reshape(B, L, E)

# --- scband reference (transcript-rebuilt; emitter-appended) ---
"""Pipeline reference for scband-text-embedding-extractor-25615184953509 (READ-ONLY COPY).

The authoritative reference and input builder live on the scoring server;
editing this copy changes nothing except your own understanding.
"""

import jax, jax.numpy as jnp
import numpy as np

VOCAB = 100000
EMBED = 128
MAXLEN = 512
B = 1024
L = 200


def setup_inputs(seed: int = 0) -> dict:
    key = jax.random.key(seed)
    k1, k2, k3 = jax.random.split(key, 3)
    token_ids = jax.random.randint(k1, (B, L), 0, VOCAB, dtype=jnp.int64 if jax.config.jax_enable_x64 else jnp.int32)
    token_table = jax.random.normal(k2, (VOCAB, EMBED), dtype=jnp.float32) * 0.02
    pos_table = jax.random.normal(k3, (MAXLEN, EMBED), dtype=jnp.float32) * 0.02
    gamma = jnp.ones((EMBED,), dtype=jnp.float32)
    beta = jnp.zeros((EMBED,), dtype=jnp.float32)
    return {
        "token_ids": token_ids,
        "token_table": token_table,
        "pos_table": pos_table,
        "gamma": gamma,
        "beta": beta,
    }


def reference(token_ids, token_table, pos_table, gamma, beta):
    # token embedding gather
    x = jnp.take(token_table, token_ids, axis=0)  # (B, L, E)
    # positional embedding gather
    Bq, Lq = token_ids.shape
    positions = jnp.arange(Lq)
    pos = jnp.take(pos_table, positions, axis=0)  # (L, E)
    x = x + pos[None, :, :]
    # LayerNorm over last dim (eps=1e-5, elementwise affine)
    mean = jnp.mean(x, axis=-1, keepdims=True)
    var = jnp.var(x, axis=-1, keepdims=True)
    xn = (x - mean) / jnp.sqrt(var + 1e-5)
    return xn * gamma + beta

if __name__ == "__main__":
    import jax
    _d = setup_inputs()
    print(jax.jit(kernel)(*tuple(_d.values())))

</pallas_src>

<mosaic_0001>
#map = affine_map<(d0, d1) -> (0, 0, 0)>
#map1 = affine_map<(d0, d1) -> (0, 0)>
#map2 = affine_map<(d0, d1) -> (0)>
module attributes {stable_mosaic.version = 14 : i64} {
  func.func @emb_ln(%arg0: i32, %arg1: i32, %arg2: memref<32x64x100xi32, #tpu.memory_space<hbm>>, %arg3: memref<100000x128xf32, #tpu.memory_space<hbm>>, %arg4: memref<512x128xf32, #tpu.memory_space<hbm>>, %arg5: memref<128xf32, #tpu.memory_space<hbm>>, %arg6: memref<128xf32, #tpu.memory_space<hbm>>, %arg7: memref<2048x100x128xf32, #tpu.memory_space<hbm>>, %arg8: memref<64x100xi32, #tpu.memory_space<vmem>>, %arg9: memref<100x128xf32, #tpu.memory_space<vmem>>, %arg10: memref<100x128xf32, #tpu.memory_space<vmem>>, %arg11: memref<!tpu.dma_semaphore, #tpu.memory_space<semaphore_mem>>, %arg12: memref<!tpu.dma_semaphore, #tpu.memory_space<semaphore_mem>>, %arg13: memref<!tpu.dma_semaphore, #tpu.memory_space<semaphore_mem>>, %arg14: memref<!tpu.dma_semaphore, #tpu.memory_space<semaphore_mem>>) attributes {dimension_semantics = [#tpu.dimension_semantics<core_parallel>, #tpu.dimension_semantics<subcore_parallel>], iteration_bounds = array<i64: 2, 16>, scalar_prefetch = 0 : i64, scratch_operands = 7 : i64, tpu.core_type = #tpu.core_type<sc_vector_subcore>, window_params = [{transform_indices = #map}, {transform_indices = #map1}, {transform_indices = #map1}, {transform_indices = #map2}, {transform_indices = #map2}, {transform_indices = #map}]} {
    %mul3A = arith.constant 2 : i32
    %mul3A_0 = arith.muli %arg1, %mul3A : i32
    %add3A = arith.addi %mul3A_0, %arg0 : i32
    "tpu.region"() ({
      %run_scoped3A = tpu.sem_alloc : memref<!tpu.dma_semaphore, #tpu.memory_space<semaphore_mem>>
      %dma_start3A_29 = arith.constant 0 : i32
      %dma_start3A_30 = arith.constant 0 : i32
      %dma_start3A_31 = tpu.memref_slice %arg2[%add3A, %dma_start3A_29, %dma_start3A_30] : memref<32x64x100xi32, #tpu.memory_space<hbm>> -> memref<1x64x100xi32, #tpu.memory_space<hbm>>
      %dma_start3A_32 = tpu.memref_squeeze %dma_start3A_31 : memref<1x64x100xi32, #tpu.memory_space<hbm>> -> memref<64x100xi32, #tpu.memory_space<hbm>>
      %dma_start3A_33 = arith.constant 0 : i32
      %dma_start3A_34 = arith.constant 0 : i32
      %dma_start3A_35 = tpu.memref_slice %arg2[%add3A, %dma_start3A_33, %dma_start3A_34] : memref<32x64x100xi32, #tpu.memory_space<hbm>> -> memref<1x64x100xi32, #tpu.memory_space<hbm>>
      %dma_start3A_36 = tpu.memref_squeeze %dma_start3A_35 : memref<1x64x100xi32, #tpu.memory_space<hbm>> -> memref<64x100xi32, #tpu.memory_space<hbm>>
      tpu.enqueue_dma source(%dma_start3A_36 : memref<64x100xi32, #tpu.memory_space<hbm>>) target(%arg8 : memref<64x100xi32, #tpu.memory_space<vmem>>) target_semaphore(%run_scoped3A : memref<!tpu.dma_semaphore, #tpu.memory_space<semaphore_mem>>)
      %dma_wait3A_37 = arith.constant 0 : i32
      %dma_wait3A_38 = arith.constant 0 : i32
      %dma_wait3A_39 = tpu.memref_slice %arg2[%add3A, %dma_wait3A_37, %dma_wait3A_38] : memref<32x64x100xi32, #tpu.memory_space<hbm>> -> memref<1x64x100xi32, #tpu.memory_space<hbm>>
      %dma_wait3A_40 = tpu.memref_squeeze %dma_wait3A_39 : memref<1x64x100xi32, #tpu.memory_space<hbm>> -> memref<64x100xi32, #tpu.memory_space<hbm>>
      %dma_wait3A_41 = arith.constant 0 : i32
      %dma_wait3A_42 = arith.constant 0 : i32
      %dma_wait3A_43 = tpu.memref_slice %arg2[%add3A, %dma_wait3A_41, %dma_wait3A_42] : memref<32x64x100xi32, #tpu.memory_space<hbm>> -> memref<1x64x100xi32, #tpu.memory_space<hbm>>
      %dma_wait3A_44 = tpu.memref_squeeze %dma_wait3A_43 : memref<1x64x100xi32, #tpu.memory_space<hbm>> -> memref<64x100xi32, #tpu.memory_space<hbm>>
      tpu.wait_dma2 semaphore(%run_scoped3A : memref<!tpu.dma_semaphore, #tpu.memory_space<semaphore_mem>>) src(%dma_wait3A_44 : memref<64x100xi32, #tpu.memory_space<hbm>>) dst(%arg8 : memref<64x100xi32, #tpu.memory_space<vmem>>)
      tpu.yield
    }) : () -> ()
    %dma_start3A = arith.constant 0 : i32
    %dma_start3A_1 = arith.constant 0 : i32
    %dma_start3A_2 = tpu.memref_slice %arg8[%dma_start3A, %dma_start3A_1] : memref<64x100xi32, #tpu.memory_space<vmem>> -> memref<1x100xi32, #tpu.memory_space<vmem>>
    %dma_start3A_3 = tpu.memref_squeeze %dma_start3A_2 : memref<1x100xi32, #tpu.memory_space<vmem>> -> memref<100xi32, #tpu.memory_space<vmem>>
    %dma_start3A_4 = arith.constant 0 : i32
    %dma_start3A_5 = arith.constant 0 : i32
    %dma_start3A_6 = tpu.memref_slice %arg3[%dma_start3A_4, %dma_start3A_5] : memref<100000x128xf32, #tpu.memory_space<hbm>> -> memref<100000x128xf32, #tpu.memory_space<hbm>>
    tpu.enqueue_indirect_dma source(%dma_start3A_6 : memref<100000x128xf32, #tpu.memory_space<hbm>>) target(%arg9 : memref<100x128xf32, #tpu.memory_space<vmem>>) offsets(%dma_start3A_3 : memref<100xi32, #tpu.memory_space<vmem>>) semaphore(%arg11 : memref<!tpu.dma_semaphore, #tpu.memory_space<semaphore_mem>>)
    %scan3A = arith.constant 0 : i32
    %scan3A_7 = arith.constant 0 : i32
    %scan3A_8 = arith.constant 32 : i32
    %scan3A_9 = arith.addi %scan3A_7, %scan3A_8 : i32
    %scan3A_10 = arith.constant 1 : i32
    scf.for %scan3A_29 = %scan3A_7 to %scan3A_9 step %scan3A_10  : i32 {
      %mul3A_30 = arith.constant 2 : i32
      %mul3A_31 = arith.muli %mul3A_30, %scan3A_29 : i32
      %add3A_32 = arith.constant 0 : i32
      %add3A_33 = arith.addi %mul3A_31, %add3A_32 : i32
      %lt3A = arith.constant 63 : i32
      %lt3A_34 = arith.cmpi slt, %add3A_33, %lt3A : i32
      %convert_element_type3A = arith.extui %lt3A_34 : i1 to i32
      %cond3A = arith.constant 0 : i32
      %cond3A_35 = arith.cmpi ne, %convert_element_type3A, %cond3A : i32
      scf.if %cond3A_35 {
        %add3A_88 = arith.constant 1 : i32
        %add3A_89 = arith.addi %add3A_33, %add3A_88 : i32
        %dma_start3A_90 = arith.constant 0 : i32
        %dma_start3A_91 = tpu.memref_slice %arg8[%add3A_89, %dma_start3A_90] : memref<64x100xi32, #tpu.memory_space<vmem>> -> memref<1x100xi32, #tpu.memory_space<vmem>>
        %dma_start3A_92 = tpu.memref_squeeze %dma_start3A_91 : memref<1x100xi32, #tpu.memory_space<vmem>> -> memref<100xi32, #tpu.memory_space<vmem>>
        %dma_start3A_93 = arith.constant 0 : i32
        %dma_start3A_94 = arith.constant 0 : i32
        %dma_start3A_95 = tpu.memref_slice %arg3[%dma_start3A_93, %dma_start3A_94] : memref<100000x128xf32, #tpu.memory_space<hbm>> -> memref<100000x128xf32, #tpu.memory_space<hbm>>
        tpu.enqueue_indirect_dma source(%dma_start3A_95 : memref<100000x128xf32, #tpu.memory_space<hbm>>) target(%arg10 : memref<100x128xf32, #tpu.memory_space<vmem>>) offsets(%dma_start3A_92 : memref<100xi32, #tpu.memory_space<vmem>>) semaphore(%arg12 : memref<!tpu.dma_semaphore, #tpu.memory_space<semaphore_mem>>)
      } else {
      }
      %dma_wait3A_36 = arith.constant 0 : i32
      %dma_wait3A_37 = tpu.memref_slice %arg8[%add3A_33, %dma_wait3A_36] : memref<64x100xi32, #tpu.memory_space<vmem>> -> memref<1x100xi32, #tpu.memory_space<vmem>>
      %dma_wait3A_38 = tpu.memref_squeeze %dma_wait3A_37 : memref<1x100xi32, #tpu.memory_space<vmem>> -> memref<100xi32, #tpu.memory_space<vmem>>
      %dma_wait3A_39 = arith.constant 0 : i32
      %dma_wait3A_40 = arith.constant 0 : i32
      %dma_wait3A_41 = tpu.memref_slice %arg3[%dma_wait3A_39, %dma_wait3A_40] : memref<100000x128xf32, #tpu.memory_space<hbm>> -> memref<100000x128xf32, #tpu.memory_space<hbm>>
      tpu.wait_indirect_dma semaphore(%arg11 : memref<!tpu.dma_semaphore, #tpu.memory_space<semaphore_mem>>) src(%dma_wait3A_41 : memref<100000x128xf32, #tpu.memory_space<hbm>>) dst(%arg9 : memref<100x128xf32, #tpu.memory_space<vmem>>)
      %ge3A = arith.constant 2 : i32
      %ge3A_42 = arith.cmpi sge, %add3A_33, %ge3A : i32
      %convert_element_type3A_43 = arith.extui %ge3A_42 : i1 to i32
      %cond3A_44 = arith.constant 0 : i32
      %cond3A_45 = arith.cmpi ne, %convert_element_type3A_43, %cond3A_44 : i32
      scf.if %cond3A_45 {
        %dma_wait3A_88 = arith.constant 0 : i32
        %dma_wait3A_89 = arith.constant 0 : i32
        %dma_wait3A_90 = arith.constant 0 : i32
        %dma_wait3A_91 = tpu.memref_slice %arg7[%dma_wait3A_88, %dma_wait3A_89, %dma_wait3A_90] : memref<2048x100x128xf32, #tpu.memory_space<hbm>> -> memref<1x100x128xf32, #tpu.memory_space<hbm>>
        %dma_wait3A_92 = tpu.memref_squeeze %dma_wait3A_91 : memref<1x100x128xf32, #tpu.memory_space<hbm>> -> memref<100x128xf32, #tpu.memory_space<hbm>>
        %dma_wait3A_93 = arith.constant 0 : i32
        %dma_wait3A_94 = arith.constant 0 : i32
        %dma_wait3A_95 = tpu.memref_slice %arg7[%dma_wait3A_88, %dma_wait3A_93, %dma_wait3A_94] : memref<2048x100x128xf32, #tpu.memory_space<hbm>> -> memref<1x100x128xf32, #tpu.memory_space<hbm>>
        %dma_wait3A_96 = tpu.memref_squeeze %dma_wait3A_95 : memref<1x100x128xf32, #tpu.memory_space<hbm>> -> memref<100x128xf32, #tpu.memory_space<hbm>>
        tpu.wait_dma2 semaphore(%arg13 : memref<!tpu.dma_semaphore, #tpu.memory_space<semaphore_mem>>) src(%arg9 : memref<100x128xf32, #tpu.memory_space<vmem>>) dst(%dma_wait3A_96 : memref<100x128xf32, #tpu.memory_space<hbm>>)
      } else {
      }
      %mul3A_46 = arith.constant 64 : i32
      %mul3A_47 = arith.muli %add3A, %mul3A_46 : i32
      %add3A_48 = arith.addi %mul3A_47, %add3A_33 : i32
      %dma_start3A_49 = arith.constant 0 : i32
      %dma_start3A_50 = arith.constant 0 : i32
      %dma_start3A_51 = tpu.memref_slice %arg7[%add3A_48, %dma_start3A_49, %dma_start3A_50] : memref<2048x100x128xf32, #tpu.memory_space<hbm>> -> memref<1x100x128xf32, #tpu.memory_space<hbm>>
      %dma_start3A_52 = tpu.memref_squeeze %dma_start3A_51 : memref<1x100x128xf32, #tpu.memory_space<hbm>> -> memref<100x128xf32, #tpu.memory_space<hbm>>
      %dma_start3A_53 = arith.constant 0 : i32
      %dma_start3A_54 = arith.constant 0 : i32
      %dma_start3A_55 = tpu.memref_slice %arg7[%add3A_48, %dma_start3A_53, %dma_start3A_54] : memref<2048x100x128xf32, #tpu.memory_space<hbm>> -> memref<1x100x128xf32, #tpu.memory_space<hbm>>
      %dma_start3A_56 = tpu.memref_squeeze %dma_start3A_55 : memref<1x100x128xf32, #tpu.memory_space<hbm>> -> memref<100x128xf32, #tpu.memory_space<hbm>>
      tpu.enqueue_dma source(%arg9 : memref<100x128xf32, #tpu.memory_space<vmem>>) target(%dma_start3A_56 : memref<100x128xf32, #tpu.memory_space<hbm>>) target_semaphore(%arg13 : memref<!tpu.dma_semaphore, #tpu.memory_space<semaphore_mem>>)
      %mul3A_57 = arith.constant 2 : i32
      %mul3A_58 = arith.muli %mul3A_57, %scan3A_29 : i32
      %add3A_59 = arith.constant 1 : i32
      %add3A_60 = arith.addi %mul3A_58, %add3A_59 : i32
      %lt3A_61 = arith.constant 63 : i32
      %lt3A_62 = arith.cmpi slt, %add3A_60, %lt3A_61 : i32
      %convert_element_type3A_63 = arith.extui %lt3A_62 : i1 to i32
      %cond3A_64 = arith.constant 0 : i32
      %cond3A_65 = arith.cmpi ne, %convert_element_type3A_63, %cond3A_64 : i32
      scf.if %cond3A_65 {
        %add3A_88 = arith.constant 1 : i32
        %add3A_89 = arith.addi %add3A_60, %add3A_88 : i32
        %dma_start3A_90 = arith.constant 0 : i32
        %dma_start3A_91 = tpu.memref_slice %arg8[%add3A_89, %dma_start3A_90] : memref<64x100xi32, #tpu.memory_space<vmem>> -> memref<1x100xi32, #tpu.memory_space<vmem>>
        %dma_start3A_92 = tpu.memref_squeeze %dma_start3A_91 : memref<1x100xi32, #tpu.memory_space<vmem>> -> memref<100xi32, #tpu.memory_space<vmem>>
        %dma_start3A_93 = arith.constant 0 : i32
        %dma_start3A_94 = arith.constant 0 : i32
        %dma_start3A_95 = tpu.memref_slice %arg3[%dma_start3A_93, %dma_start3A_94] : memref<100000x128xf32, #tpu.memory_space<hbm>> -> memref<100000x128xf32, #tpu.memory_space<hbm>>
        tpu.enqueue_indirect_dma source(%dma_start3A_95 : memref<100000x128xf32, #tpu.memory_space<hbm>>) target(%arg9 : memref<100x128xf32, #tpu.memory_space<vmem>>) offsets(%dma_start3A_92 : memref<100xi32, #tpu.memory_space<vmem>>) semaphore(%arg11 : memref<!tpu.dma_semaphore, #tpu.memory_space<semaphore_mem>>)
      } else {
      }
      %dma_wait3A_66 = arith.constant 0 : i32
      %dma_wait3A_67 = tpu.memref_slice %arg8[%add3A_60, %dma_wait3A_66] : memref<64x100xi32, #tpu.memory_space<vmem>> -> memref<1x100xi32, #tpu.memory_space<vmem>>
      %dma_wait3A_68 = tpu.memref_squeeze %dma_wait3A_67 : memref<1x100xi32, #tpu.memory_space<vmem>> -> memref<100xi32, #tpu.memory_space<vmem>>
      %dma_wait3A_69 = arith.constant 0 : i32
      %dma_wait3A_70 = arith.constant 0 : i32
      %dma_wait3A_71 = tpu.memref_slice %arg3[%dma_wait3A_69, %dma_wait3A_70] : memref<100000x128xf32, #tpu.memory_space<hbm>> -> memref<100000x128xf32, #tpu.memory_space<hbm>>
      tpu.wait_indirect_dma semaphore(%arg12 : memref<!tpu.dma_semaphore, #tpu.memory_space<semaphore_mem>>) src(%dma_wait3A_71 : memref<100000x128xf32, #tpu.memory_space<hbm>>) dst(%arg10 : memref<100x128xf32, #tpu.memory_space<vmem>>)
      %ge3A_72 = arith.constant 2 : i32
      %ge3A_73 = arith.cmpi sge, %add3A_60, %ge3A_72 : i32
      %convert_element_type3A_74 = arith.extui %ge3A_73 : i1 to i32
      %cond3A_75 = arith.constant 0 : i32
      %cond3A_76 = arith.cmpi ne, %convert_element_type3A_74, %cond3A_75 : i32
      scf.if %cond3A_76 {
        %dma_wait3A_88 = arith.constant 0 : i32
        %dma_wait3A_89 = arith.constant 0 : i32
        %dma_wait3A_90 = arith.constant 0 : i32
        %dma_wait3A_91 = tpu.memref_slice %arg7[%dma_wait3A_88, %dma_wait3A_89, %dma_wait3A_90] : memref<2048x100x128xf32, #tpu.memory_space<hbm>> -> memref<1x100x128xf32, #tpu.memory_space<hbm>>
        %dma_wait3A_92 = tpu.memref_squeeze %dma_wait3A_91 : memref<1x100x128xf32, #tpu.memory_space<hbm>> -> memref<100x128xf32, #tpu.memory_space<hbm>>
        %dma_wait3A_93 = arith.constant 0 : i32
        %dma_wait3A_94 = arith.constant 0 : i32
        %dma_wait3A_95 = tpu.memref_slice %arg7[%dma_wait3A_88, %dma_wait3A_93, %dma_wait3A_94] : memref<2048x100x128xf32, #tpu.memory_space<hbm>> -> memref<1x100x128xf32, #tpu.memory_space<hbm>>
        %dma_wait3A_96 = tpu.memref_squeeze %dma_wait3A_95 : memref<1x100x128xf32, #tpu.memory_space<hbm>> -> memref<100x128xf32, #tpu.memory_space<hbm>>
        tpu.wait_dma2 semaphore(%arg14 : memref<!tpu.dma_semaphore, #tpu.memory_space<semaphore_mem>>) src(%arg10 : memref<100x128xf32, #tpu.memory_space<vmem>>) dst(%dma_wait3A_96 : memref<100x128xf32, #tpu.memory_space<hbm>>)
      } else {
      }
      %mul3A_77 = arith.constant 64 : i32
      %mul3A_78 = arith.muli %add3A, %mul3A_77 : i32
      %add3A_79 = arith.addi %mul3A_78, %add3A_60 : i32
      %dma_start3A_80 = arith.constant 0 : i32
      %dma_start3A_81 = arith.constant 0 : i32
      %dma_start3A_82 = tpu.memref_slice %arg7[%add3A_79, %dma_start3A_80, %dma_start3A_81] : memref<2048x100x128xf32, #tpu.memory_space<hbm>> -> memref<1x100x128xf32, #tpu.memory_space<hbm>>
      %dma_start3A_83 = tpu.memref_squeeze %dma_start3A_82 : memref<1x100x128xf32, #tpu.memory_space<hbm>> -> memref<100x128xf32, #tpu.memory_space<hbm>>
      %dma_start3A_84 = arith.constant 0 : i32
      %dma_start3A_85 = arith.constant 0 : i32
      %dma_start3A_86 = tpu.memref_slice %arg7[%add3A_79, %dma_start3A_84, %dma_start3A_85] : memref<2048x100x128xf32, #tpu.memory_space<hbm>> -> memref<1x100x128xf32, #tpu.memory_space<hbm>>
      %dma_start3A_87 = tpu.memref_squeeze %dma_start3A_86 : memref<1x100x128xf32, #tpu.memory_space<hbm>> -> memref<100x128xf32, #tpu.memory_space<hbm>>
      tpu.enqueue_dma source(%arg10 : memref<100x128xf32, #tpu.memory_space<vmem>>) target(%dma_start3A_87 : memref<100x128xf32, #tpu.memory_space<hbm>>) target_semaphore(%arg14 : memref<!tpu.dma_semaphore, #tpu.memory_space<semaphore_mem>>)
    }
    %scan3A_11 = arith.constant 32 : i32
    %dma_wait3A = arith.constant 0 : i32
    %dma_wait3A_12 = arith.constant 0 : i32
    %dma_wait3A_13 = arith.constant 0 : i32
    %dma_wait3A_14 = tpu.memref_slice %arg7[%dma_wait3A, %dma_wait3A_12, %dma_wait3A_13] : memref<2048x100x128xf32, #tpu.memory_space<hbm>> -> memref<1x100x128xf32, #tpu.memory_space<hbm>>
    %dma_wait3A_15 = tpu.memref_squeeze %dma_wait3A_14 : memref<1x100x128xf32, #tpu.memory_space<hbm>> -> memref<100x128xf32, #tpu.memory_space<hbm>>
    %dma_wait3A_16 = arith.constant 0 : i32
    %dma_wait3A_17 = arith.constant 0 : i32
    %dma_wait3A_18 = tpu.memref_slice %arg7[%dma_wait3A, %dma_wait3A_16, %dma_wait3A_17] : memref<2048x100x128xf32, #tpu.memory_space<hbm>> -> memref<1x100x128xf32, #tpu.memory_space<hbm>>
    %dma_wait3A_19 = tpu.memref_squeeze %dma_wait3A_18 : memref<1x100x128xf32, #tpu.memory_space<hbm>> -> memref<100x128xf32, #tpu.memory_space<hbm>>
    tpu.wait_dma2 semaphore(%arg13 : memref<!tpu.dma_semaphore, #tpu.memory_space<semaphore_mem>>) src(%arg9 : memref<100x128xf32, #tpu.memory_space<vmem>>) dst(%dma_wait3A_19 : memref<100x128xf32, #tpu.memory_space<hbm>>)
    %dma_wait3A_20 = arith.constant 0 : i32
    %dma_wait3A_21 = arith.constant 0 : i32
    %dma_wait3A_22 = arith.constant 0 : i32
    %dma_wait3A_23 = tpu.memref_slice %arg7[%dma_wait3A_20, %dma_wait3A_21, %dma_wait3A_22] : memref<2048x100x128xf32, #tpu.memory_space<hbm>> -> memref<1x100x128xf32, #tpu.memory_space<hbm>>
    %dma_wait3A_24 = tpu.memref_squeeze %dma_wait3A_23 : memref<1x100x128xf32, #tpu.memory_space<hbm>> -> memref<100x128xf32, #tpu.memory_space<hbm>>
    %dma_wait3A_25 = arith.constant 0 : i32
    %dma_wait3A_26 = arith.constant 0 : i32
    %dma_wait3A_27 = tpu.memref_slice %arg7[%dma_wait3A_20, %dma_wait3A_25, %dma_wait3A_26] : memref<2048x100x128xf32, #tpu.memory_space<hbm>> -> memref<1x100x128xf32, #tpu.memory_space<hbm>>
    %dma_wait3A_28 = tpu.memref_squeeze %dma_wait3A_27 : memref<1x100x128xf32, #tpu.memory_space<hbm>> -> memref<100x128xf32, #tpu.memory_space<hbm>>
    tpu.wait_dma2 semaphore(%arg14 : memref<!tpu.dma_semaphore, #tpu.memory_space<semaphore_mem>>) src(%arg10 : memref<100x128xf32, #tpu.memory_space<vmem>>) dst(%dma_wait3A_28 : memref<100x128xf32, #tpu.memory_space<hbm>>)
    return
  }
}

</mosaic_0001>

<sc_bundles>
// kernel: kernel.3.cloned.1.call-start
scs
__scs_entry_jumppad:
0x0: {  	(pc) =	sbr.rel $0x88, $3  }
0x1: {  	(tag) =	ssettag $0x0;
	lr =	simm.s32 $0x1  }
0x2: {  	[smem:$0x3F9C] =	sst lr;
	_ =	strace $0xD0000000  }
0x3: {  	_ = 	snop  }
0x4: {  	_ = 	snop  }
0x5: {  	_ = 	snop  }
0x6: {  	_ = 	snop  }
0x7: {  	_ = 	snop  }
__scs_overlays_trampoline_lowered:
0x8: {  	[smem:$0x3FAB] =	sst s0  }
0x9: {  	[smem:$0x3FAC] =	sst s1  }
0xa: {  	[smem:$0x3FAD] =	sst s2  }
0xb: {  	[smem:$0x3FAE] =	sst s3  }
0xc: {  	[smem:$0x3FAF] =	sst s4  }
0xd: {  	[smem:$0x3FB0] =	sst s5  }
0xe: {  	[smem:$0x3FB1] =	sst s6  }
0xf: {  	[smem:$0x3FB2] =	sst s7  }
0x10: {  	[smem:$0x3FB3] =	sst s8  }
0x11: {  	[smem:$0x3FB4] =	sst s9;
	s0 =	simm.s32 @!p0 $0x0  }
0x12: {  	s1 =	sld [smem:$0x3F9A];
	s0 =	simm.s32 @p0 $0x1  }
0x13: {  	[smem:$0x3FB5] =	sst s0;
	s0 =	simm.s32 @!p1 $0x0  }
0x14: {  	s2 =	sld [smem:$0x3F99];
	s0 =	simm.s32 @p1 $0x1  }
0x15: {  	[smem:$0x3FB6] =	sst s0;
	s0 =	simm.s32 @!p2 $0x0  }
0x16: {  	s3 =	sld [smem:$0x3FDB];
	s0 =	simm.s32 @p2 $0x1  }
0x17: {  	s4 =	simm.s32 $0x1BF5;
	[smem:$0x3FB8] =	sst s0  }
0x18: {  	s0 =	sld [smem:$0x3F9B];
	_ =	swait.ge [sflag:s4], $0x0  }
0x19: {  	s7 =	sld [smem:$0x3F9C]  }
0x1a: {  	s8 =	sadd.s32 $0xFFFFE003, lr  }
0x1b: {  	s9 =	sadd.s32 $0xFFFFFEF7, lr;
	s5 =	simm.s32 $0xFFFFFFFF;
	p2 =	slt.u32 s8, $0xFFFFF086  }
0x1c: {  	p1 =	slt.u32 s9, $0xF7A;
	s5 =	simm.s32 @!p2 $0x0  }
0x1d: {  	s5 =	simm.s32 @p1 $0x1;
	p0 =	seq.s32 s7, s2  }
0x1e: {  	s7 =	smul.u32 @!p0 $0xF7A, s2;
	p2 =	seq.s32 @!p0 s5, $0x0  }
0x1f: {  	s9 =	smul.u32 $0xF7A, s1;
	s8 =	simm.s32 @!p0 $0x1BF5;
	p2 =	por !p2, p0  }
0x20: {  	[sflag:s8] =	ssyncset.s32 @!p0 $0xFFFFF086;
	s6 =	sadd.s32 @!p0 s3, s7;
	s7 =	simm.s32 @!p0 $0x108  }
0x21: {  	s3 =	sadd.s32 s3, s9;
	s6 =	sadd.s32 @!p0 $0x88, s6;
	s7 =	simm.s32 @p2 $0x1082  }
0x22: {  	[simem:s7], [sflag:s8] =	dma.local @!p0 [hbm:s6], $0xF7A  }
0x23: {  	s9 =	sor.u32 $0xD0000000, s2;
	s6 =	simm.s32 $0x108;
	_ =	swait.ge @!p0 [sflag:s8], $0x0  }
0x24: {  	s3 =	sadd.s32 $0x88, s3;
	s6 =	simm.s32 @!p1 $0x1082;
	[sflag:s4] =	ssyncset.s32 $0xFFFFF086  }
0x25: {  	[simem:s6], [sflag:s4] =	dma.local [hbm:s3], $0xF7A  }
0x26: {  	[smem:$0x3F9C] =	sst s1;
	(tag) =	ssettag s2;
	_ =	strace s9  }
0x27: {  	s1 =	sld [smem:$0x3FAC]  }
0x28: {  	s2 =	sld [smem:$0x3FAD]  }
0x29: {  	s4 =	sld [smem:$0x3FAF]  }
0x2a: {  	p0 =	seq.s32 s5, $0x0;
	s5 =	sld [smem:$0x3FB0]  }
0x2b: {  	s6 =	sld [smem:$0x3FB1]  }
0x2c: {  	s7 =	sld [smem:$0x3FB2]  }
0x2d: {  	s3 =	simm.s32 $0x108;
	s8 =	sld [smem:$0x3FB3]  }
0x2e: {  	s3 =	simm.s32 @!p0 $0x1082;
	s9 =	sld [smem:$0x3FB4]  }
0x2f: {  	lr =	sadd.s32 s0, s3;
	s0 =	sld [smem:$0x3FAB]  }
0x30: {  	s3 =	sld [smem:$0x3FAE]  }
0x31: {  	[smem:$0x3FB7] =	sst s10  }
0x32: {  	s10 =	sld [smem:$0x3FB5];
	_ =	sdelay $0x3  }
0x33: {  	p0 =	seq.s32 s10, $0x1;
	s10 =	sld [smem:$0x3FB7];
	_ =	sdelay $0x3  }
0x34: {  	[smem:$0x3FB7] =	sst s10  }
0x35: {  	s10 =	sld [smem:$0x3FB6];
	_ =	sdelay $0x3  }
0x36: {  	p1 =	seq.s32 s10, $0x1;
	s10 =	sld [smem:$0x3FB7];
	_ =	sdelay $0x3  }
0x37: {  	[smem:$0x3FB7] =	sst s10  }
0x38: {  	s10 =	sld [smem:$0x3FB8]  }
0x39: {  	_ = 	snop;
	(pc) =	sbr.ind lr, $3  }
0x3a: {  	_ = 	snop  }
0x3b: {  	_ = 	snop  }
0x3c: {  	p2 =	seq.s32 s10, $0x1;
	s10 =	sld [smem:$0x3FB7]  }
0x3d: {  	_ =	shalt  }
0x3e: {  	_ =	shalt  }
0x3f: {  	_ =	shalt  }
0x40: {  	_ =	shalt  }
0x41: {  	_ =	shalt  }
0x42: {  	_ =	shalt  }
0x43: {  	_ =	shalt  }
0x44: {  	_ =	shalt  }
0x45: {  	_ =	shalt  }
0x46: {  	_ =	shalt  }
0x47: {  	_ =	shalt  }
0x48: {  	_ =	shalt  }
0x49: {  	_ =	shalt  }
0x4a: {  	_ =	shalt  }
0x4b: {  	_ =	shalt  }
0x4c: {  	_ =	shalt  }
0x4d: {  	_ =	shalt  }
0x4e: {  	_ =	shalt  }
0x4f: {  	_ =	shalt  }
0x50: {  	_ =	shalt  }
0x51: {  	_ =	shalt  }
0x52: {  	_ =	shalt  }
0x53: {  	_ =	shalt  }
0x54: {  	_ =	shalt  }
0x55: {  	_ =	shalt  }
0x56: {  	_ =	shalt  }
0x57: {  	_ =	shalt  }
0x58: {  	_ =	shalt  }
0x59: {  	_ =	shalt  }
0x5a: {  	_ =	shalt  }
0x5b: {  	_ =	shalt  }
0x5c: {  	_ =	shalt  }
0x5d: {  	_ =	shalt  }
0x5e: {  	_ =	shalt  }
0x5f: {  	_ =	shalt  }
0x60: {  	_ =	shalt  }
0x61: {  	_ =	shalt  }
0x62: {  	_ =	shalt  }
0x63: {  	_ =	shalt  }
0x64: {  	_ =	shalt  }
0x65: {  	_ =	shalt  }
0x66: {  	_ =	shalt  }
0x67: {  	_ =	shalt  }
0x68: {  	_ =	shalt  }
0x69: {  	_ =	shalt  }
0x6a: {  	_ =	shalt  }
0x6b: {  	_ =	shalt  }
0x6c: {  	_ =	shalt  }
0x6d: {  	_ =	shalt  }
0x6e: {  	_ =	shalt  }
0x6f: {  	_ =	shalt  }
0x70: {  	_ =	shalt  }
0x71: {  	_ =	shalt  }
0x72: {  	_ =	shalt  }
0x73: {  	_ =	shalt  }
0x74: {  	_ =	shalt  }
0x75: {  	_ =	shalt  }
0x76: {  	_ =	shalt  }
0x77: {  	_ =	shalt  }
0x78: {  	_ =	shalt  }
0x79: {  	_ =	shalt  }
0x7a: {  	_ =	shalt  }
0x7b: {  	_ =	shalt  }
0x7c: {  	_ =	shalt  }
0x7d: {  	_ =	shalt  }
0x7e: {  	_ =	shalt  }
0x7f: {  	_ =	shalt  }
0x80: {  	_ =	shalt  }
0x81: {  	_ =	shalt  }
0x82: {  	_ =	shalt  }
0x83: {  	_ =	shalt  }
0x84: {  	_ =	shalt  }
0x85: {  	_ =	shalt  }
0x86: {  	_ =	shalt  }
0x87: {  	_ =	shalt  }
.Lfunc_end0:
.L_simem_size_0:
called_computation_lowered:
.L_overlay_start_0:
0x88: {  	s2 =	sld [smem:$0x3FD9]  }
0x89: {  	s3 =	sld [smem:$0x3FFE];
	_ =	sdelay $0x1  }
0x8a: {  	s1 =	srdreg.scid  }
0x8b: {  	s0 =	sand.u32 $0x1, s1  }
0x8c: {  	s17 =	sshll.u32 s0, $0xA;
	s2 =	sadd.s32 s3, s2  }
0x8d: {  	s2 =	sadd.s32 s2, s17  }
0x8e: {  	[smem:$0x3FC3] =	sst s2  }
0x8f: {  	_ = 	snop  }
0x90: {  	s2 =	sld [smem:$0x3FC8]  }
0x91: {  	s18 =	sld [smem:$0x3FD0];
	(tm) =	ssettm $0x1  }
0x92: {  	s4 =	sld [smem:$0x3FFB];
	_ =	sdelay $0x3  }
0x93: {  	_ =	strace s4  }
0x94: {  	s4 =	sld [smem:$0x3FFC];
	_ =	sdelay $0x3  }
0x95: {  	_ =	strace s4  }
0x96: {  	s4 =	sld [smem:$0x3FFD];
	_ =	sdelay $0x3  }
0x97: {  	_ =	strace s4  }
0x98: {  	_ =	strace $0x8FFFFFFF  }
0x99: {  	s19 =	sld [smem:$0x3FDB];
	_ =	sdelay $0x1  }
0x9a: {  	s5 =	simm.s32 $_scs_section_size  }
0x9b: {  	s6 =	simm.s32 $_size__tile_overlayer_lowered;
	s7 =	simm.s32 $_tile_overlayer_lowered  }
0x9c: {  	s22 =	simm.s32 $0x1BFF;
	s21 =	sshll.u32 s7, $0x1;
	s4 =	sadd.s32 s5, s19  }
0x9d: {  	s8 =	simm.s32 $0x0;
	s20 =	sshll.u32 s6, $0x1;
	s6 =	sadd.s32 s21, s4  }
0x9e: {  	[timem:s8], [sflag:s22] =	dma.local [hbm:s6], s20  }
0x9f: {  	_ =	swait.ge [sflag:s22], s20  }
0xa0: {  	s5 =	ssub.s32 $0x0, s20;
	[sflag:s22] =	ssyncset.done $0x0  }
0xa1: {  	[sflag:s22] =	ssyncadd.s32 s5;
	_ =	sdelay $0x1  }
0xa2: {  	s23 =	simm.s32 $0x1B8B  }
0xa3: {  	_ =	swait.ge [sflag:s23], $0x1  }
0xa4: {  	[sflag:s23] =	ssyncset.done $0x0  }
0xa5: {  	s25 =	simm.s32 $0x1B8E;
	s24 =	sld [smem:$0x3FFE];
	[sflag:s23] =	ssyncadd.s32 $0xFFFFFFFF  }
0xa6: {  	s26 =	simm.s32 $execute0_lowered;
	[smem:$0x3FD2] =	sst s25  }
0xa7: {  	s6 =	sshll.u32 s26, $0x1;
	_ =	strace $0x80000046;
	[dreg:$0x1] =	wrdreg $0xFFFFFFFF  }
0xa8: {  	s28 =	simm.s32 $_size_execute0_lowered;
	s4 =	sadd.s32 s4, s6;
	[dreg:$0x0] =	wrdreg $0x0  }
0xa9: {  	s6 =	sshll.u32 s28, $0x1;
	[dreg:$0x2] =	wrdreg s4  }
0xaa: {  	[dreg:$0x3] =	wrdreg s6  }
0xab: {  	[dreg:$0x4] =	wrdreg $0xC0  }
0xac: {  	_ =	task [dreg:s8], $0x5FFFF  }
0xad: {  	[dreg:$0x1] =	wrdreg $0xFFFFFFFF  }
0xae: {  	[dreg:$0x0] =	wrdreg $0x60  }
0xaf: {  	[dreg:$0x2] =	wrdreg s18  }
0xb0: {  	[dreg:$0x3] =	wrdreg s2  }
0xb1: {  	[dreg:$0x4] =	wrdreg s24  }
0xb2: {  	[dreg:$0x5] =	wrdreg $0x9  }
0xb3: {  	_ =	task.clear_ibuf [dreg:s8], $0x6FFFF;
	_ =	strace $0x90000046  }
0xb4: {  	s29 =	simm.s32 $0x9;
	_ =	strace $0x80000048  }
0xb5: {  	_ =	swait.ge [sflag:s29], $0x1  }
0xb6: {  	[sflag:s29] =	ssyncadd.s32 $0xFFFFFFFF  }
0xb7: {  	_ =	strace $0x90000048  }
0xb8: {  	_ =	sfence  }
0xb9: {  	s30 =	sld [smem:$0x0];
	_ =	sdelay $0x2  }
0xba: {  	s31 =	sshll.u32 s1, $0xD;
	s1 =	sshrl.u32 s1, $0x2  }
0xbb: {  	s3 =	sand.u32 $0x4000, s31;
	s1 =	sadd.s32 s1, s30  }
0xbc: {  	s0 =	sor.u32 s3, s0;
	s1 =	sshll.u32 s1, $0x11  }
0xbd: {  	s0 =	sor.u32 s1, s0  }
0xbe: {  	s0 =	sadd.s32 $0x8F2B, s0  }
0xbf: {  	[sflag:s0] =	ssyncadd.remote.s32 $0x1  }
0xc0: {  	_ =	sfence.sel $0xFFFF  }
0xc1: {  	[dreg:$0x0] =	wrdreg $0xFFFFFFFF;
	(pc) =	sbr.abs _section_cstart, $3  }
0xc2: {  	[dreg:$0x1] =	wrdreg $0xFFFFFFFF  }
0xc3: {  	_ =	task.clear_ibuf [dreg:s8], $0x2FFFF;
	_ =	strace $0x9FFFFFFF  }
0xc4: {  	(tm) =	ssettm $0x7FFFFFFF  }
0xc5: {  	_ =	shalt  }
tec
execute0_lowered:
.L_overlay_start_1:
0x0: {  	(tag) =	ssettag $0x1  }
0x1: {  	s4 =	rddreg [dreg:$0x0]  }
0x2: {  	s2 =	rddreg [dreg:$0x1]  }
0x3: {  	s5 =	rddreg [dreg:$0x2]  }
0x4: {  	s0 =	rddreg [dreg:$0x3];
	s6 =	srdreg.scid  }
0x5: {  	s1 =	stileid.u32;
	s3 =	simm.s32 $0x0;
	s13 =	simm.s32 $0x2000  }
0x6: {  	s14 =	simm.s32 $0x80;
	s15 =	simm.s32 $0x5400;
	s16 =	simm.s32 $0x1  }
0x7: {  	s17 =	simm.s32 $0x100;
	s18 =	simm.s32 $0x2;
	s19 =	simm.s32 $0x3  }
0x8: {  	s20 =	simm.s32 $0x4;
	s21 =	simm.s32 $0x1F80;
	s22 =	simm.s32 $0x0  }
0x9: {  	s6 =	sand.u32 $0x1, s6;
	s7 =	sshll.u32 s1, $0x1;
	[smem:$0x7FF] =	sst s3  }
0xa: {  	s10 =	sadd.s32 $0x400, s5;
	s11 =	smul.u32 $0x34000, s1;
	s7 =	sor.u32 s6, s7  }
0xb: {  	_ =	strace $0x80000047;
	s8 =	ssub.s32 $0x2, s6;
	s12 =	smul.u32 $0x1A000, s6  }
0xc: {  	s9 =	smul.u32 $0x1A000, s7;
	s29 =	sshrl.u32 s8, $0x1;
	s30 =	sshll.u32 s7, $0xA  }
0xd: {  	s31 =	sadd.s32 s11, s10;
	s11 =	simm.s32 $0x5;
	s8 =	ssub.s32 s8, s29  }
0xe: {  	s4 =	sadd.s32 s4, s30;
	s5 =	sadd.s32 s10, s9;
	s6 =	smax.u32 s8, $0x1  }
0xf: {  	s10 =	sadd.s32 s12, s31;
	s12 =	simm.s32 $0x64;
	s7 =	sadd.s32 $0x680, s5  }
0x10: {  	s8 =	sadd.s32 $0x19300, s5;
	s9 =	sadd.s32 $0x19980, s5;
	s10 =	sadd.s32 $0xD00, s10  }
.LBB2_1:
0x11: {  	[tilespmem:s3], [sflag:$0x5] =	stream.linear.gather [hbm4b:s4+s3], $0x2000, $0x38;
	[tilespmem:$0x8800] =	vst v63  }
0x12: {  	_ =	swait.ge [sflag:s11], $0x2000  }
0x13: {  	[sflag:s11] =	ssyncset.done $0x0  }
0x14: {  	[sflag:s11] =	ssyncadd.s32 $0xFFFFE000  }
0x15: {  	[tilespmem:s13], [sflag:$0x1] =	stream.indirect.gather [hbm4b:s2+s12], $0x80, s3, s12, $0xb8;
	[tilespmem:$0x8800] =	vst v63  }
0x16: {  	_ = 	snop  }
0x17: {  	[tilespmem:s15], [sflag:$0x2] =	stream.indirect.gather [hbm4b:s2+s12], $0x80, s14, s12, $0xb8;
	[tilespmem:$0x8800] =	vst v63  }
0x18: {  	_ =	swait.ge [sflag:s16], $0x3200  }
0x19: {  	[sflag:s16] =	ssyncset.done $0x0  }
0x1a: {  	[sflag:s16] =	ssyncadd.s32 $0xFFFFCE00  }
0x1b: {  	[hbm4b:s5+s3] =	stream.linear.scatter [tilespmem:s13], [sflag:$0x3], $0x3200, $0x38;
	[tilespmem:$0x8800] =	vst v63  }
0x1c: {  	_ = 	snop  }
0x1d: {  	[tilespmem:s13], [sflag:$0x1] =	stream.indirect.gather [hbm4b:s2+s12], $0x80, s17, s12, $0xb8;
	[tilespmem:$0x8800] =	vst v63  }
0x1e: {  	_ =	swait.ge [sflag:s18], $0x3200  }
0x1f: {  	[sflag:s18] =	ssyncset.done $0x0  }
0x20: {  	[sflag:s18] =	ssyncadd.s32 $0xFFFFCE00  }
0x21: {  	[hbm4b:s7+s3] =	stream.linear.scatter [tilespmem:s15], [sflag:$0x4], $0x3200, $0x38;
	[tilespmem:$0x8800] =	vst v63  }
0x22: {  	s23 =	simm.s32 $0x180  }
0x23: {  	[tilespmem:s15], [sflag:$0x2] =	stream.indirect.gather [hbm4b:s2+s12], $0x80, s23, s12, $0xb8;
	[tilespmem:$0x8800] =	vst v63  }
0x24: {  	_ =	swait.ge [sflag:s16], $0x3200  }
0x25: {  	[sflag:s16] =	ssyncset.done $0x0  }
0x26: {  	[sflag:s16] =	ssyncadd.s32 $0xFFFFCE00  }
0x27: {  	_ =	swait.ge [sflag:s19], $0x3200  }
0x28: {  	[sflag:s19] =	ssyncset.done $0x0  }
0x29: {  	[sflag:s19] =	ssyncadd.s32 $0xFFFFCE00  }
0x2a: {  	[hbm4b:s10+s3] =	stream.linear.scatter [tilespmem:s13], [sflag:$0x3], $0x3200, $0x38;
	[tilespmem:$0x8800] =	vst v63  }
0x2b: {  	s31 =	simm.s32 $0x200  }
0x2c: {  	[tilespmem:s13], [sflag:$0x1] =	stream.indirect.gather [hbm4b:s2+s12], $0x80, s31, s12, $0xb8;
	[tilespmem:$0x8800] =	vst v63  }
0x2d: {  	_ =	swait.ge [sflag:s18], $0x3200  }
0x2e: {  	[sflag:s18] =	ssyncset.done $0x0  }
0x2f: {  	[sflag:s18] =	ssyncadd.s32 $0xFFFFCE00  }
0x30: {  	_ =	swait.ge [sflag:s20], $0x3200  }
0x31: {  	s24 =	simm.s32 $0x100;
	s25 =	simm.s32 $0x800;
	[sflag:s20] =	ssyncset.done $0x0  }
0x32: {  	s26 =	sadd.s32 $0x680, s10;
	s23 =	sadd.s32 $0xD00, s10;
	[sflag:s20] =	ssyncadd.s32 $0xFFFFCE00  }
.LBB2_2:
0x33: {  	[hbm4b:s26+s3] =	stream.linear.scatter [tilespmem:s15], [sflag:$0x4], $0x3200, $0x38;
	[tilespmem:$0x8800] =	vst v63  }
0x34: {  	s26 =	smov.u32 s25  }
0x35: {  	s28 =	sadd.s32 $0x400, s25;
	s29 =	sadd.s32 $0x180, s24;
	s26 =	sshra.s32 s26, $0x2  }
0x36: {  	[tilespmem:s15], [sflag:$0x2] =	stream.indirect.gather [hbm4b:s2+s12], $0x80, s29, s12, $0xb8;
	[tilespmem:$0x8800] =	vst v63  }
0x37: {  	p0 =	sne.s32 s25, $0x7400;
	_ =	swait.ge [sflag:s16], $0x3200  }
0x38: {  	[sflag:s16] =	ssyncset.done $0x0  }
0x39: {  	[sflag:s16] =	ssyncadd.s32 $0xFFFFCE00  }
0x3a: {  	_ =	swait.ge [sflag:s19], $0x3200  }
0x3b: {  	[sflag:s19] =	ssyncset.done $0x0  }
0x3c: {  	[sflag:s19] =	ssyncadd.s32 $0xFFFFCE00  }
0x3d: {  	[hbm4b:s23+s3] =	stream.linear.scatter [tilespmem:s13], [sflag:$0x3], $0x3200, $0x38;
	[tilespmem:$0x8800] =	vst v63  }
0x3e: {  	s25 =	sadd.s32 $0x200, s24;
	s24 =	smov.u32 s26  }
0x3f: {  	[tilespmem:s13], [sflag:$0x1] =	stream.indirect.gather [hbm4b:s2+s12], $0x80, s25, s12, $0xb8;
	[tilespmem:$0x8800] =	vst v63  }
0x40: {  	_ =	swait.ge [sflag:s18], $0x3200  }
.Ltmp0:
0x41: {  	[sflag:s18] =	ssyncset.done $0x0;
	(pc) =	sbr.rel @p0 .LBB2_2-.Ltmp0, $4  }
0x42: {  	[sflag:s18] =	ssyncadd.s32 $0xFFFFCE00  }
0x43: {  	_ =	swait.ge [sflag:s20], $0x3200  }
0x44: {  	s26 =	sadd.s32 $0x680, s23;
	[sflag:s20] =	ssyncset.done $0x0  }
0x45: {  	s23 =	sadd.s32 $0xD00, s23;
	s25 =	smov.u32 s28;
	[sflag:s20] =	ssyncadd.s32 $0xFFFFCE00  }
0x46: {  	[hbm4b:s26+s3] =	stream.linear.scatter [tilespmem:s15], [sflag:$0x4], $0x3200, $0x38;
	[tilespmem:$0x8800] =	vst v63  }
0x47: {  	s25 =	sadd.s32 $0x180, s24  }
0x48: {  	[tilespmem:s15], [sflag:$0x2] =	stream.indirect.gather [hbm4b:s2+s12], $0x80, s25, s12, $0xb8;
	[tilespmem:$0x8800] =	vst v63  }
0x49: {  	_ =	swait.ge [sflag:s16], $0x3200  }
0x4a: {  	[sflag:s16] =	ssyncset.done $0x0  }
0x4b: {  	[sflag:s16] =	ssyncadd.s32 $0xFFFFCE00  }
0x4c: {  	_ =	swait.ge [sflag:s19], $0x3200  }
0x4d: {  	[sflag:s19] =	ssyncset.done $0x0  }
0x4e: {  	[sflag:s19] =	ssyncadd.s32 $0xFFFFCE00  }
0x4f: {  	[hbm4b:s23+s3] =	stream.linear.scatter [tilespmem:s13], [sflag:$0x3], $0x3200, $0x38;
	[tilespmem:$0x8800] =	vst v63  }
0x50: {  	s30 =	sadd.s32 $0x200, s24  }
0x51: {  	[tilespmem:s13], [sflag:$0x1] =	stream.indirect.gather [hbm4b:s2+s12], $0x80, s30, s12, $0xb8;
	[tilespmem:$0x8800] =	vst v63  }
0x52: {  	_ =	swait.ge [sflag:s18], $0x3200  }
0x53: {  	[sflag:s18] =	ssyncset.done $0x0  }
0x54: {  	[sflag:s18] =	ssyncadd.s32 $0xFFFFCE00  }
0x55: {  	_ =	swait.ge [sflag:s20], $0x3200  }
0x56: {  	[sflag:s20] =	ssyncset.done $0x0  }
0x57: {  	s31 =	sadd.s32 $0x680, s23;
	[sflag:s20] =	ssyncadd.s32 $0xFFFFCE00  }
0x58: {  	[hbm4b:s31+s3] =	stream.linear.scatter [tilespmem:s15], [sflag:$0x4], $0x3200, $0x38;
	[tilespmem:$0x8800] =	vst v63  }
0x59: {  	_ = 	snop  }
0x5a: {  	[tilespmem:s15], [sflag:$0x2] =	stream.indirect.gather [hbm4b:s2+s12], $0x80, s21, s12, $0xb8;
	[tilespmem:$0x8800] =	vst v63  }
0x5b: {  	_ =	swait.ge [sflag:s16], $0x3200  }
0x5c: {  	[sflag:s16] =	ssyncset.done $0x0  }
0x5d: {  	[sflag:s16] =	ssyncadd.s32 $0xFFFFCE00  }
0x5e: {  	_ =	swait.ge [sflag:s19], $0x3200  }
0x5f: {  	[sflag:s19] =	ssyncset.done $0x0  }
0x60: {  	[sflag:s19] =	ssyncadd.s32 $0xFFFFCE00  }
0x61: {  	[hbm4b:s8+s3] =	stream.linear.scatter [tilespmem:s13], [sflag:$0x3], $0x3200, $0x38;
	[tilespmem:$0x8800] =	vst v63  }
0x62: {  	_ =	swait.ge [sflag:s18], $0x3200  }
0x63: {  	[sflag:s18] =	ssyncset.done $0x0  }
0x64: {  	[sflag:s18] =	ssyncadd.s32 $0xFFFFCE00  }
0x65: {  	_ =	swait.ge [sflag:s20], $0x3200  }
0x66: {  	[sflag:s20] =	ssyncset.done $0x0  }
0x67: {  	s22 =	sadd.s32 $0x1, s22;
	[sflag:s20] =	ssyncadd.s32 $0xFFFFCE00  }
0x68: {  	[hbm4b:s9+s3] =	stream.linear.scatter [tilespmem:s15], [sflag:$0x4], $0x3200, $0x38;
	[tilespmem:$0x8800] =	vst v63  }
0x69: {  	p0 =	sne.s32 s22, s6;
	_ =	swait.ge [sflag:s19], $0x3200  }
.Ltmp1:
0x6a: {  	[sflag:s19] =	ssyncset.done $0x0;
	(pc) =	sbr.rel @p0 .LBB2_1-.Ltmp1, $4  }
0x6b: {  	[sflag:s19] =	ssyncadd.s32 $0xFFFFCE00  }
0x6c: {  	_ =	swait.ge [sflag:s20], $0x3200  }
0x6d: {  	[sflag:s20] =	ssyncset.done $0x0  }
0x6e: {  	[sflag:s20] =	ssyncadd.s32 $0xFFFFCE00  }
0x6f: {  	_ =	sfence.sel $0x180000  }
0x70: {  	[bflag:$0x0] =	sbarrier.arrive $0xFFFF  }
0x71: {  	p0 =	sne.s32 s1, $0x0;
	_ =	strace $0x90000047  }
0x72: {  	s0 =	sadd.s32 @!p0 $0x100000, s0;
	[bflag:$0x2] =	sbarrier.arrive $0xFFFF  }
0x73: {  	[sflag:s0] =	ssyncadd.tile.s32 @!p0 $0x1;
	_ =	shalt  }
.Lfunc_end2:
_tile_overlayer_lowered:
.L_overlay_start_2:
0x74: {  	(tag) =	ssettag $0x2  }
0x75: {  	s0 =	rddreg [dreg:$0x0];
	s2 =	stileid.u32  }
0x76: {  	s1 =	rddreg [dreg:$0x1];
	p0 =	sne.s32 s2, $0x0  }
0x77: {  	s3 =	rddreg [dreg:$0x2];
	[bflag:$0x3] =	sbarrier.arrive $0xFFFF;
	s2 =	simm.s32 @!p0 $0x1C05  }
0x78: {  	[timem:s3], [sflag:s2] =	dma.local @!p0 [hbm:s0], s1  }
0x79: {  	s0 =	simm.s32 @!p0 $0x5  }
0x7a: {  	_ =	swait.ge @!p0 [sflag:s0], s1  }
0x7b: {  	s1 =	ssub.s32 @!p0 $0x0, s1;
	[sflag:s0] =	ssyncset.done @!p0 $0x0  }
0x7c: {  	[sflag:s0] =	ssyncadd.s32 @!p0 s1  }
0x7d: {  	[bflag:$0x3] =	sbarrier.arrive $0xFFFF  }
0x7e: {  	_ =	shalt  }

</sc_bundles>
